<compile_context>
chip_gen: v7x
topology: tpu7x:2x2x1
jax: 0.10.2.dev20260603
libtpu: 0.0.44.dev20260713+nightly
codegen_flags: <defaults>
</compile_context>

<pallas_src>
import functools

import jax
import jax.numpy as jnp
from jax import lax
from jax.experimental import pallas as pl
from jax.experimental.pallas import tpu as pltpu
from jax.experimental.pallas import tpu_sc as plsc

N_DRUG = 572
D = 128
S = 64
NW = 32
N_PAD = 576
N_PER_W = N_PAD // NW


def _sc_attention(adj_tail_p, adj_rel_p, drug_p, rela_table, ent_table):
    mesh = plsc.VectorSubcoreMesh(
        core_axis_name="c", subcore_axis_name="s", num_cores=2, num_subcores=16
    )

    @functools.partial(
        pl.kernel,
        out_type=jax.ShapeDtypeStruct((N_PAD, D), jnp.float32),
        mesh=mesh,
        compiler_params=pltpu.CompilerParams(needs_layout_passes=False),
        scratch_types=[
            pltpu.VMEM((S,), jnp.int32),
            pltpu.VMEM((S,), jnp.int32),
            pltpu.VMEM((D,), jnp.float32),
            pltpu.VMEM((S, D), jnp.float32),
            pltpu.VMEM((S, D), jnp.float32),
            pltpu.VMEM((S,), jnp.float32),
            pltpu.VMEM((D,), jnp.float32),
            pltpu.SemaphoreType.DMA,
            pltpu.SemaphoreType.DMA,
        ],
    )
    def attn(adj_tail_hbm, adj_rel_hbm, drug_hbm, rela_hbm, ent_hbm, out_hbm,
             idx_rel_v, idx_ent_v, drug_v, rela_v, ent_v, w_v, orow_v,
             sem_r, sem_e):
        wid = lax.axis_index("s") * 2 + lax.axis_index("c")
        iota16 = lax.iota(jnp.int32, 16)
        zeros = jnp.zeros((16,), jnp.float32)

        def drug_body(j, carry):
            i = wid * N_PER_W + j
            pltpu.sync_copy(adj_rel_hbm.at[i], idx_rel_v)
            pltpu.sync_copy(adj_tail_hbm.at[i], idx_ent_v)
            pltpu.sync_copy(drug_hbm.at[i], drug_v)
            cp_r = pltpu.async_copy(rela_hbm.at[idx_rel_v], rela_v, sem_r)
            cp_e = pltpu.async_copy(ent_hbm.at[idx_ent_v], ent_v, sem_e)
            cp_r.wait()

            def d_body(d, ss):
                db = jnp.full((16,), d, jnp.int32)
                dv = plsc.load_gather(drug_v, [db])
                return tuple(
                    ss[g] + dv * plsc.load_gather(rela_v, [g * 16 + iota16, db])
                    for g in range(4)
                )

            s0, s1, s2, s3 = lax.fori_loop(0, D, d_body, (zeros,) * 4)

            m = jnp.max(jnp.maximum(jnp.maximum(s0, s1), jnp.maximum(s2, s3)))
            mb = jnp.full((16,), m, jnp.float32)
            e0 = jnp.exp(s0 - mb)
            e1 = jnp.exp(s1 - mb)
            e2 = jnp.exp(s2 - mb)
            e3 = jnp.exp(s3 - mb)
            t = jnp.sum(e0 + e1 + e2 + e3)
            ib = jnp.float32(1.0) / jnp.full((16,), t, jnp.float32)
            w_v[pl.ds(0, 16)] = e0 * ib
            w_v[pl.ds(16, 16)] = e1 * ib
            w_v[pl.ds(32, 16)] = e2 * ib
            w_v[pl.ds(48, 16)] = e3 * ib

            cp_e.wait()

            def s_body(s, acc):
                sb = jnp.full((16,), s, jnp.int32)
                wb = plsc.load_gather(w_v, [sb])
                return tuple(
                    acc[k] + wb * plsc.load_gather(ent_v, [sb, k * 16 + iota16])
                    for k in range(8)
                )

            acc = lax.fori_loop(0, S, s_body, (zeros,) * 8)
            for k in range(8):
                orow_v[pl.ds(k * 16, 16)] = acc[k]
            pltpu.sync_copy(orow_v, out_hbm.at[i])
            return carry

        lax.fori_loop(0, N_PER_W, drug_body, 0)

    return attn(adj_tail_p, adj_rel_p, drug_p, rela_table, ent_table)


def _tc_head(att, drug_emb, w_top, w_bot, b, gamma, beta):

    def body(a_ref, d_ref, wt_ref, wb_ref, b_ref, g_ref, be_ref, o_ref):
        h = jnp.dot(a_ref[:], wt_ref[:], preferred_element_type=jnp.float32)
        h = h + jnp.dot(d_ref[:], wb_ref[:], preferred_element_type=jnp.float32)
        h = jnp.maximum(h + b_ref[:], 0.0)
        mean = jnp.mean(h, axis=0, keepdims=True)
        var = jnp.mean((h - mean) ** 2, axis=0, keepdims=True)
        o_ref[:] = g_ref[:] * (h - mean) * lax.rsqrt(var + 1e-5) + be_ref[:]

    return pl.pallas_call(
        body,
        out_shape=jax.ShapeDtypeStruct((N_DRUG, D), jnp.float32),
    )(att, drug_emb, w_top, w_bot, b.reshape(1, D), gamma.reshape(1, D),
      beta.reshape(1, D))


def kernel(drug_name, adj_tail, adj_relation, gnn1_embedding, epoch,
           drug_table, rela_table, ent_table, W_lin, b_lin, bn_gamma, bn_beta):
    adj_tail_p = jnp.pad(adj_tail, ((0, N_PAD - N_DRUG), (0, 0)))
    adj_rel_p = jnp.pad(adj_relation, ((0, N_PAD - N_DRUG), (0, 0)))
    drug_p = jnp.pad(drug_table, ((0, N_PAD - N_DRUG), (0, 0)))

    att = _sc_attention(adj_tail_p, adj_rel_p, drug_p, rela_table, ent_table)
    att = att[:N_DRUG]

    drug_f = _tc_head(att, drug_table, W_lin[:D], W_lin[D:], b_lin,
                      bn_gamma, bn_beta)
    return (drug_f, gnn1_embedding)

# --- scband reference (transcript-rebuilt; emitter-appended) ---
"""Pipeline reference for scband-gnn2-79783312490853 (READ-ONLY COPY).

The authoritative reference and input builder live on the scoring server;
editing this copy changes nothing except your own understanding.
"""

import jax, jax.numpy as jnp
import numpy as np

N_DRUG = 572
D = 128
S = 64
N_ENT = 100000
N_REL = 1000


def setup_inputs(seed: int = 0) -> dict:
    key = jax.random.key(seed)
    ks = jax.random.split(key, 12)
    inp = {}
    # forward args
    inp["drug_name"] = jnp.arange(N_DRUG, dtype=jnp.int32)
    inp["adj_tail"] = jax.random.randint(ks[0], (N_DRUG, S), 0, N_ENT, dtype=jnp.int32)
    inp["adj_relation"] = jax.random.randint(ks[1], (N_DRUG, S), 0, N_REL, dtype=jnp.int32)
    inp["gnn1_embedding"] = jax.random.normal(ks[2], (N_DRUG, D), dtype=jnp.float32)
    inp["epoch"] = 1  # <= 1 so the data-dependent invariant_adj smoothing branch is skipped
    # learned parameters
    inp["drug_table"] = jax.random.normal(ks[3], (N_DRUG, D), dtype=jnp.float32) * 0.02
    inp["rela_table"] = jax.random.normal(ks[4], (N_REL, D), dtype=jnp.float32) * 0.02
    inp["ent_table"] = jax.random.normal(ks[5], (N_ENT, D), dtype=jnp.float32) * 0.02
    # Linear1: Linear(2D -> D), xavier-uniform weight, zero bias
    lim = float(np.sqrt(6.0 / (2 * D + D)))
    inp["W_lin"] = jax.random.uniform(ks[6], (2 * D, D), dtype=jnp.float32, minval=-lim, maxval=lim)
    inp["b_lin"] = jnp.zeros((D,), dtype=jnp.float32)
    # BatchNorm1d(D): gamma=1, beta=0 (training-mode batch stats)
    inp["bn_gamma"] = jnp.ones((D,), dtype=jnp.float32)
    inp["bn_beta"] = jnp.zeros((D,), dtype=jnp.float32)
    return inp


def reference(drug_name, adj_tail, adj_relation, gnn1_embedding, epoch,
              drug_table, rela_table, ent_table, W_lin, b_lin, bn_gamma, bn_beta):
    # embedding gathers (SparseCore-friendly)
    drug_emb = jnp.take(drug_table, drug_name, axis=0)            # [572, D]
    rela_emb = jnp.take(rela_table, adj_relation, axis=0)         # [572, S, D]
    ent_emb = jnp.take(ent_table, adj_tail, axis=0)               # [572, S, D]
    # relation-aware neighbor attention (AttentionLayer)
    scores = jnp.einsum('nd,nsd->ns', drug_emb, rela_emb)         # [572, S]
    w = jax.nn.softmax(scores, axis=1)
    attended = jnp.einsum('ns,nsd->nd', w, ent_emb)               # [572, D]
    # concat + Linear + ReLU + BatchNorm1d (training-mode batch stats)
    drug_e = jnp.concatenate([attended, drug_emb], axis=1)        # [572, 2D]
    h = drug_e @ W_lin + b_lin
    h = jax.nn.relu(h)
    mean = jnp.mean(h, axis=0)
    var = jnp.var(h, axis=0)
    drug_f = bn_gamma * (h - mean) / jnp.sqrt(var + 1e-5) + bn_beta
    # epoch <= 1: invariant_adj neighbor-averaging branch not executed
    return (drug_f, gnn1_embedding)

if __name__ == "__main__":
    import jax
    _d = setup_inputs()
    print(jax.jit(kernel)(*tuple(_d.values())))

</pallas_src>

<mosaic_0001>
#map = affine_map<(d0, d1) -> (0, 0)>
module attributes {stable_mosaic.version = 14 : i64} {
  func.func @attn(%arg0: i32, %arg1: i32, %arg2: memref<576x64xi32, #tpu.memory_space<hbm>>, %arg3: memref<576x64xi32, #tpu.memory_space<hbm>>, %arg4: memref<576x128xf32, #tpu.memory_space<hbm>>, %arg5: memref<1000x128xf32, #tpu.memory_space<hbm>>, %arg6: memref<100000x128xf32, #tpu.memory_space<hbm>>, %arg7: memref<576x128xf32, #tpu.memory_space<hbm>>, %arg8: memref<64xi32, #tpu.memory_space<vmem>>, %arg9: memref<64xi32, #tpu.memory_space<vmem>>, %arg10: memref<128xf32, #tpu.memory_space<vmem>>, %arg11: memref<64x128xf32, #tpu.memory_space<vmem>>, %arg12: memref<64x128xf32, #tpu.memory_space<vmem>>, %arg13: memref<64xf32, #tpu.memory_space<vmem>>, %arg14: memref<128xf32, #tpu.memory_space<vmem>>, %arg15: memref<!tpu.dma_semaphore, #tpu.memory_space<semaphore_mem>>, %arg16: memref<!tpu.dma_semaphore, #tpu.memory_space<semaphore_mem>>) attributes {dimension_semantics = [#tpu.dimension_semantics<core_parallel>, #tpu.dimension_semantics<subcore_parallel>], iteration_bounds = array<i64: 2, 16>, scalar_prefetch = 0 : i64, scratch_operands = 9 : i64, tpu.core_type = #tpu.core_type<sc_vector_subcore>, window_params = [{transform_indices = #map}, {transform_indices = #map}, {transform_indices = #map}, {transform_indices = #map}, {transform_indices = #map}, {transform_indices = #map}]} {
    %mul3A = arith.constant 2 : i32
    %mul3A_0 = arith.muli %arg1, %mul3A : i32
    %add3A = arith.addi %mul3A_0, %arg0 : i32
    %iota3A = tpu.iota {dimensions = array<i32: 0>} : vector<16xi32>
    %broadcast_in_dim3A = arith.constant 0.000000e+00 : f32
    %broadcast_in_dim3A_1 = vector.broadcast %broadcast_in_dim3A : f32 to vector<16xf32>
    %scan3A = arith.constant 0 : i32
    %scan3A_2 = arith.constant 0 : i32
    %scan3A_3 = arith.constant 18 : i32
    %scan3A_4 = arith.addi %scan3A_2, %scan3A_3 : i32
    %scan3A_5 = arith.constant 1 : i32
    scf.for %scan3A_7 = %scan3A_2 to %scan3A_4 step %scan3A_5  : i32 {
      %mul3A_8 = arith.constant 18 : i32
      %mul3A_9 = arith.muli %add3A, %mul3A_8 : i32
      %add3A_10 = arith.addi %mul3A_9, %scan3A_7 : i32
      "tpu.region"() ({
        %run_scoped3A = tpu.sem_alloc : memref<!tpu.dma_semaphore, #tpu.memory_space<semaphore_mem>>
        %dma_start3A_81 = arith.constant 0 : i32
        %dma_start3A_82 = tpu.memref_slice %arg3[%add3A_10, %dma_start3A_81] : memref<576x64xi32, #tpu.memory_space<hbm>> -> memref<1x64xi32, #tpu.memory_space<hbm>>
        %dma_start3A_83 = tpu.memref_squeeze %dma_start3A_82 : memref<1x64xi32, #tpu.memory_space<hbm>> -> memref<64xi32, #tpu.memory_space<hbm>>
        %dma_start3A_84 = arith.constant 0 : i32
        %dma_start3A_85 = tpu.memref_slice %arg3[%add3A_10, %dma_start3A_84] : memref<576x64xi32, #tpu.memory_space<hbm>> -> memref<1x64xi32, #tpu.memory_space<hbm>>
        %dma_start3A_86 = tpu.memref_squeeze %dma_start3A_85 : memref<1x64xi32, #tpu.memory_space<hbm>> -> memref<64xi32, #tpu.memory_space<hbm>>
        tpu.enqueue_dma source(%dma_start3A_86 : memref<64xi32, #tpu.memory_space<hbm>>) target(%arg8 : memref<64xi32, #tpu.memory_space<vmem>>) target_semaphore(%run_scoped3A : memref<!tpu.dma_semaphore, #tpu.memory_space<semaphore_mem>>)
        %dma_wait3A_87 = arith.constant 0 : i32
        %dma_wait3A_88 = tpu.memref_slice %arg3[%add3A_10, %dma_wait3A_87] : memref<576x64xi32, #tpu.memory_space<hbm>> -> memref<1x64xi32, #tpu.memory_space<hbm>>
        %dma_wait3A_89 = tpu.memref_squeeze %dma_wait3A_88 : memref<1x64xi32, #tpu.memory_space<hbm>> -> memref<64xi32, #tpu.memory_space<hbm>>
        %dma_wait3A_90 = arith.constant 0 : i32
        %dma_wait3A_91 = tpu.memref_slice %arg3[%add3A_10, %dma_wait3A_90] : memref<576x64xi32, #tpu.memory_space<hbm>> -> memref<1x64xi32, #tpu.memory_space<hbm>>
        %dma_wait3A_92 = tpu.memref_squeeze %dma_wait3A_91 : memref<1x64xi32, #tpu.memory_space<hbm>> -> memref<64xi32, #tpu.memory_space<hbm>>
        tpu.wait_dma2 semaphore(%run_scoped3A : memref<!tpu.dma_semaphore, #tpu.memory_space<semaphore_mem>>) src(%dma_wait3A_92 : memref<64xi32, #tpu.memory_space<hbm>>) dst(%arg8 : memref<64xi32, #tpu.memory_space<vmem>>)
        tpu.yield
      }) : () -> ()
      "tpu.region"() ({
        %run_scoped3A = tpu.sem_alloc : memref<!tpu.dma_semaphore, #tpu.memory_space<semaphore_mem>>
        %dma_start3A_81 = arith.constant 0 : i32
        %dma_start3A_82 = tpu.memref_slice %arg2[%add3A_10, %dma_start3A_81] : memref<576x64xi32, #tpu.memory_space<hbm>> -> memref<1x64xi32, #tpu.memory_space<hbm>>
        %dma_start3A_83 = tpu.memref_squeeze %dma_start3A_82 : memref<1x64xi32, #tpu.memory_space<hbm>> -> memref<64xi32, #tpu.memory_space<hbm>>
        %dma_start3A_84 = arith.constant 0 : i32
        %dma_start3A_85 = tpu.memref_slice %arg2[%add3A_10, %dma_start3A_84] : memref<576x64xi32, #tpu.memory_space<hbm>> -> memref<1x64xi32, #tpu.memory_space<hbm>>
        %dma_start3A_86 = tpu.memref_squeeze %dma_start3A_85 : memref<1x64xi32, #tpu.memory_space<hbm>> -> memref<64xi32, #tpu.memory_space<hbm>>
        tpu.enqueue_dma source(%dma_start3A_86 : memref<64xi32, #tpu.memory_space<hbm>>) target(%arg9 : memref<64xi32, #tpu.memory_space<vmem>>) target_semaphore(%run_scoped3A : memref<!tpu.dma_semaphore, #tpu.memory_space<semaphore_mem>>)
        %dma_wait3A_87 = arith.constant 0 : i32
        %dma_wait3A_88 = tpu.memref_slice %arg2[%add3A_10, %dma_wait3A_87] : memref<576x64xi32, #tpu.memory_space<hbm>> -> memref<1x64xi32, #tpu.memory_space<hbm>>
        %dma_wait3A_89 = tpu.memref_squeeze %dma_wait3A_88 : memref<1x64xi32, #tpu.memory_space<hbm>> -> memref<64xi32, #tpu.memory_space<hbm>>
        %dma_wait3A_90 = arith.constant 0 : i32
        %dma_wait3A_91 = tpu.memref_slice %arg2[%add3A_10, %dma_wait3A_90] : memref<576x64xi32, #tpu.memory_space<hbm>> -> memref<1x64xi32, #tpu.memory_space<hbm>>
        %dma_wait3A_92 = tpu.memref_squeeze %dma_wait3A_91 : memref<1x64xi32, #tpu.memory_space<hbm>> -> memref<64xi32, #tpu.memory_space<hbm>>
        tpu.wait_dma2 semaphore(%run_scoped3A : memref<!tpu.dma_semaphore, #tpu.memory_space<semaphore_mem>>) src(%dma_wait3A_92 : memref<64xi32, #tpu.memory_space<hbm>>) dst(%arg9 : memref<64xi32, #tpu.memory_space<vmem>>)
        tpu.yield
      }) : () -> ()
      "tpu.region"() ({
        %run_scoped3A = tpu.sem_alloc : memref<!tpu.dma_semaphore, #tpu.memory_space<semaphore_mem>>
        %dma_start3A_81 = arith.constant 0 : i32
        %dma_start3A_82 = tpu.memref_slice %arg4[%add3A_10, %dma_start3A_81] : memref<576x128xf32, #tpu.memory_space<hbm>> -> memref<1x128xf32, #tpu.memory_space<hbm>>
        %dma_start3A_83 = tpu.memref_squeeze %dma_start3A_82 : memref<1x128xf32, #tpu.memory_space<hbm>> -> memref<128xf32, #tpu.memory_space<hbm>>
        %dma_start3A_84 = arith.constant 0 : i32
        %dma_start3A_85 = tpu.memref_slice %arg4[%add3A_10, %dma_start3A_84] : memref<576x128xf32, #tpu.memory_space<hbm>> -> memref<1x128xf32, #tpu.memory_space<hbm>>
        %dma_start3A_86 = tpu.memref_squeeze %dma_start3A_85 : memref<1x128xf32, #tpu.memory_space<hbm>> -> memref<128xf32, #tpu.memory_space<hbm>>
        tpu.enqueue_dma source(%dma_start3A_86 : memref<128xf32, #tpu.memory_space<hbm>>) target(%arg10 : memref<128xf32, #tpu.memory_space<vmem>>) target_semaphore(%run_scoped3A : memref<!tpu.dma_semaphore, #tpu.memory_space<semaphore_mem>>)
        %dma_wait3A_87 = arith.constant 0 : i32
        %dma_wait3A_88 = tpu.memref_slice %arg4[%add3A_10, %dma_wait3A_87] : memref<576x128xf32, #tpu.memory_space<hbm>> -> memref<1x128xf32, #tpu.memory_space<hbm>>
        %dma_wait3A_89 = tpu.memref_squeeze %dma_wait3A_88 : memref<1x128xf32, #tpu.memory_space<hbm>> -> memref<128xf32, #tpu.memory_space<hbm>>
        %dma_wait3A_90 = arith.constant 0 : i32
        %dma_wait3A_91 = tpu.memref_slice %arg4[%add3A_10, %dma_wait3A_90] : memref<576x128xf32, #tpu.memory_space<hbm>> -> memref<1x128xf32, #tpu.memory_space<hbm>>
        %dma_wait3A_92 = tpu.memref_squeeze %dma_wait3A_91 : memref<1x128xf32, #tpu.memory_space<hbm>> -> memref<128xf32, #tpu.memory_space<hbm>>
        tpu.wait_dma2 semaphore(%run_scoped3A : memref<!tpu.dma_semaphore, #tpu.memory_space<semaphore_mem>>) src(%dma_wait3A_92 : memref<128xf32, #tpu.memory_space<hbm>>) dst(%arg10 : memref<128xf32, #tpu.memory_space<vmem>>)
        tpu.yield
      }) : () -> ()
      %dma_start3A = arith.constant 0 : i32
      %dma_start3A_11 = arith.constant 0 : i32
      %dma_start3A_12 = tpu.memref_slice %arg5[%dma_start3A, %dma_start3A_11] : memref<1000x128xf32, #tpu.memory_space<hbm>> -> memref<1000x128xf32, #tpu.memory_space<hbm>>
      tpu.enqueue_indirect_dma source(%dma_start3A_12 : memref<1000x128xf32, #tpu.memory_space<hbm>>) target(%arg11 : memref<64x128xf32, #tpu.memory_space<vmem>>) offsets(%arg8 : memref<64xi32, #tpu.memory_space<vmem>>) semaphore(%arg15 : memref<!tpu.dma_semaphore, #tpu.memory_space<semaphore_mem>>)
      %dma_start3A_13 = arith.constant 0 : i32
      %dma_start3A_14 = arith.constant 0 : i32
      %dma_start3A_15 = tpu.memref_slice %arg6[%dma_start3A_13, %dma_start3A_14] : memref<100000x128xf32, #tpu.memory_space<hbm>> -> memref<100000x128xf32, #tpu.memory_space<hbm>>
      tpu.enqueue_indirect_dma source(%dma_start3A_15 : memref<100000x128xf32, #tpu.memory_space<hbm>>) target(%arg12 : memref<64x128xf32, #tpu.memory_space<vmem>>) offsets(%arg9 : memref<64xi32, #tpu.memory_space<vmem>>) semaphore(%arg16 : memref<!tpu.dma_semaphore, #tpu.memory_space<semaphore_mem>>)
      %dma_wait3A = arith.constant 0 : i32
      %dma_wait3A_16 = arith.constant 0 : i32
      %dma_wait3A_17 = tpu.memref_slice %arg5[%dma_wait3A, %dma_wait3A_16] : memref<1000x128xf32, #tpu.memory_space<hbm>> -> memref<1000x128xf32, #tpu.memory_space<hbm>>
      tpu.wait_indirect_dma semaphore(%arg15 : memref<!tpu.dma_semaphore, #tpu.memory_space<semaphore_mem>>) src(%dma_wait3A_17 : memref<1000x128xf32, #tpu.memory_space<hbm>>) dst(%arg11 : memref<64x128xf32, #tpu.memory_space<vmem>>)
      %scan3A_18 = arith.constant 0 : i32
      %scan3A_19 = arith.constant 128 : i32
      %scan3A_20 = arith.addi %scan3A_18, %scan3A_19 : i32
      %scan3A_21 = arith.constant 1 : i32
      %scan3A_22:4 = scf.for %scan3A_81 = %scan3A_18 to %scan3A_20 step %scan3A_21 iter_args(%scan3A_82 = %broadcast_in_dim3A_1, %scan3A_83 = %broadcast_in_dim3A_1, %scan3A_84 = %broadcast_in_dim3A_1, %scan3A_85 = %broadcast_in_dim3A_1) -> (vector<16xf32>, vector<16xf32>, vector<16xf32>, vector<16xf32>)  : i32 {
        %broadcast_in_dim3A_86 = vector.broadcast %scan3A_81 : i32 to vector<16xi32>
        %gather3A = tpu.vector_load_idx %arg10[%broadcast_in_dim3A_86] : memref<128xf32, #tpu.memory_space<vmem>>[vector<16xi32>], vector<16xf32>,
        %add3A_87 = arith.constant 0 : i32
        %add3A_88 = vector.broadcast %add3A_87 : i32 to vector<16xi32>
        %add3A_89 = arith.addi %add3A_88, %iota3A : vector<16xi32>
        %gather3A_90 = tpu.vector_load_idx %arg11[%add3A_89, %broadcast_in_dim3A_86] : memref<64x128xf32, #tpu.memory_space<vmem>>[vector<16xi32>, vector<16xi32>], vector<16xf32>,
        %mul3A_91 = arith.mulf %gather3A, %gather3A_90 : vector<16xf32>
        %add3A_92 = arith.addf %scan3A_82, %mul3A_91 : vector<16xf32>
        %add3A_93 = arith.constant 16 : i32
        %add3A_94 = vector.broadcast %add3A_93 : i32 to vector<16xi32>
        %add3A_95 = arith.addi %add3A_94, %iota3A : vector<16xi32>
        %gather3A_96 = tpu.vector_load_idx %arg11[%add3A_95, %broadcast_in_dim3A_86] : memref<64x128xf32, #tpu.memory_space<vmem>>[vector<16xi32>, vector<16xi32>], vector<16xf32>,
        %mul3A_97 = arith.mulf %gather3A, %gather3A_96 : vector<16xf32>
        %add3A_98 = arith.addf %scan3A_83, %mul3A_97 : vector<16xf32>
        %add3A_99 = arith.constant 32 : i32
        %add3A_100 = vector.broadcast %add3A_99 : i32 to vector<16xi32>
        %add3A_101 = arith.addi %add3A_100, %iota3A : vector<16xi32>
        %gather3A_102 = tpu.vector_load_idx %arg11[%add3A_101, %broadcast_in_dim3A_86] : memref<64x128xf32, #tpu.memory_space<vmem>>[vector<16xi32>, vector<16xi32>], vector<16xf32>,
        %mul3A_103 = arith.mulf %gather3A, %gather3A_102 : vector<16xf32>
        %add3A_104 = arith.addf %scan3A_84, %mul3A_103 : vector<16xf32>
        %add3A_105 = arith.constant 48 : i32
        %add3A_106 = vector.broadcast %add3A_105 : i32 to vector<16xi32>
        %add3A_107 = arith.addi %add3A_106, %iota3A : vector<16xi32>
        %gather3A_108 = tpu.vector_load_idx %arg11[%add3A_107, %broadcast_in_dim3A_86] : memref<64x128xf32, #tpu.memory_space<vmem>>[vector<16xi32>, vector<16xi32>], vector<16xf32>,
        %mul3A_109 = arith.mulf %gather3A, %gather3A_108 : vector<16xf32>
        %add3A_110 = arith.addf %scan3A_85, %mul3A_109 : vector<16xf32>
        scf.yield %add3A_92, %add3A_98, %add3A_104, %add3A_110 : vector<16xf32>, vector<16xf32>, vector<16xf32>, vector<16xf32>
      }
      %scan3A_23 = arith.constant 128 : i32
      %max3A = arith.maximumf %scan3A_22#0, %scan3A_22#1 : vector<16xf32>
      %max3A_24 = arith.maximumf %scan3A_22#2, %scan3A_22#3 : vector<16xf32>
      %max3A_25 = arith.maximumf %max3A, %max3A_24 : vector<16xf32>
      %reduce_max3A = arith.constant true
      %reduce_max3A_26 = vector.broadcast %reduce_max3A : i1 to vector<16xi1>
      %reduce_max3A_27 = tpu.scan <max>, %max3A_25 masked %reduce_max3A_26 : vector<16xf32>, vector<16xi1> -> vector<16xf32>
      %reduce_max3A_28 = vector.extract %reduce_max3A_27[15] : f32 from vector<16xf32>
      %broadcast_in_dim3A_29 = vector.broadcast %reduce_max3A_28 : f32 to vector<16xf32>
      %sub3A = arith.subf %scan3A_22#0, %broadcast_in_dim3A_29 : vector<16xf32>
      %exp3A = math.exp %sub3A : vector<16xf32>
      %sub3A_30 = arith.subf %scan3A_22#1, %broadcast_in_dim3A_29 : vector<16xf32>
      %exp3A_31 = math.exp %sub3A_30 : vector<16xf32>
      %sub3A_32 = arith.subf %scan3A_22#2, %broadcast_in_dim3A_29 : vector<16xf32>
      %exp3A_33 = math.exp %sub3A_32 : vector<16xf32>
      %sub3A_34 = arith.subf %scan3A_22#3, %broadcast_in_dim3A_29 : vector<16xf32>
      %exp3A_35 = math.exp %sub3A_34 : vector<16xf32>
      %add3A_36 = arith.addf %exp3A, %exp3A_31 : vector<16xf32>
      %add3A_37 = arith.addf %add3A_36, %exp3A_33 : vector<16xf32>
      %add3A_38 = arith.addf %add3A_37, %exp3A_35 : vector<16xf32>
      %reduce_sum3A = arith.constant true
      %reduce_sum3A_39 = vector.broadcast %reduce_sum3A : i1 to vector<16xi1>
      %reduce_sum3A_40 = tpu.scan <sum>, %add3A_38 masked %reduce_sum3A_39 : vector<16xf32>, vector<16xi1> -> vector<16xf32>
      %reduce_sum3A_41 = vector.extract %reduce_sum3A_40[15] : f32 from vector<16xf32>
      %broadcast_in_dim3A_42 = vector.broadcast %reduce_sum3A_41 : f32 to vector<16xf32>
      %div3A = arith.constant 1.000000e+00 : f32
      %div3A_43 = vector.broadcast %div3A : f32 to vector<16xf32>
      %div3A_44 = arith.divf %div3A_43, %broadcast_in_dim3A_42 : vector<16xf32>
      %mul3A_45 = arith.mulf %exp3A, %div3A_44 : vector<16xf32>
      %swap3A = arith.constant 0 : index
      %swap3A_46 = tpu.vector_load %arg13[%swap3A] {strides = array<i32>} : memref<64xf32, #tpu.memory_space<vmem>>, vector<16xf32>,
      tpu.vector_store %arg13[%swap3A], %mul3A_45 {strides = array<i32>} : memref<64xf32, #tpu.memory_space<vmem>>, vector<16xf32>,
      %mul3A_47 = arith.mulf %exp3A_31, %div3A_44 : vector<16xf32>
      %swap3A_48 = arith.constant 16 : index
      %swap3A_49 = tpu.vector_load %arg13[%swap3A_48] {strides = array<i32>} : memref<64xf32, #tpu.memory_space<vmem>>, vector<16xf32>,
      tpu.vector_store %arg13[%swap3A_48], %mul3A_47 {strides = array<i32>} : memref<64xf32, #tpu.memory_space<vmem>>, vector<16xf32>,
      %mul3A_50 = arith.mulf %exp3A_33, %div3A_44 : vector<16xf32>
      %swap3A_51 = arith.constant 32 : index
      %swap3A_52 = tpu.vector_load %arg13[%swap3A_51] {strides = array<i32>} : memref<64xf32, #tpu.memory_space<vmem>>, vector<16xf32>,
      tpu.vector_store %arg13[%swap3A_51], %mul3A_50 {strides = array<i32>} : memref<64xf32, #tpu.memory_space<vmem>>, vector<16xf32>,
      %mul3A_53 = arith.mulf %exp3A_35, %div3A_44 : vector<16xf32>
      %swap3A_54 = arith.constant 48 : index
      %swap3A_55 = tpu.vector_load %arg13[%swap3A_54] {strides = array<i32>} : memref<64xf32, #tpu.memory_space<vmem>>, vector<16xf32>,
      tpu.vector_store %arg13[%swap3A_54], %mul3A_53 {strides = array<i32>} : memref<64xf32, #tpu.memory_space<vmem>>, vector<16xf32>,
      %dma_wait3A_56 = arith.constant 0 : i32
      %dma_wait3A_57 = arith.constant 0 : i32
      %dma_wait3A_58 = tpu.memref_slice %arg6[%dma_wait3A_56, %dma_wait3A_57] : memref<100000x128xf32, #tpu.memory_space<hbm>> -> memref<100000x128xf32, #tpu.memory_space<hbm>>
      tpu.wait_indirect_dma semaphore(%arg16 : memref<!tpu.dma_semaphore, #tpu.memory_space<semaphore_mem>>) src(%dma_wait3A_58 : memref<100000x128xf32, #tpu.memory_space<hbm>>) dst(%arg12 : memref<64x128xf32, #tpu.memory_space<vmem>>)
      %scan3A_59 = arith.constant 0 : i32
      %scan3A_60 = arith.constant 64 : i32
      %scan3A_61 = arith.addi %scan3A_59, %scan3A_60 : i32
      %scan3A_62 = arith.constant 1 : i32
      %scan3A_63:8 = scf.for %scan3A_81 = %scan3A_59 to %scan3A_61 step %scan3A_62 iter_args(%scan3A_82 = %broadcast_in_dim3A_1, %scan3A_83 = %broadcast_in_dim3A_1, %scan3A_84 = %broadcast_in_dim3A_1, %scan3A_85 = %broadcast_in_dim3A_1, %scan3A_86 = %broadcast_in_dim3A_1, %scan3A_87 = %broadcast_in_dim3A_1, %scan3A_88 = %broadcast_in_dim3A_1, %scan3A_89 = %broadcast_in_dim3A_1) -> (vector<16xf32>, vector<16xf32>, vector<16xf32>, vector<16xf32>, vector<16xf32>, vector<16xf32>, vector<16xf32>, vector<16xf32>)  : i32 {
        %broadcast_in_dim3A_90 = vector.broadcast %scan3A_81 : i32 to vector<16xi32>
        %gather3A = tpu.vector_load_idx %arg13[%broadcast_in_dim3A_90] : memref<64xf32, #tpu.memory_space<vmem>>[vector<16xi32>], vector<16xf32>,
        %add3A_91 = arith.constant 0 : i32
        %add3A_92 = vector.broadcast %add3A_91 : i32 to vector<16xi32>
        %add3A_93 = arith.addi %add3A_92, %iota3A : vector<16xi32>
        %gather3A_94 = tpu.vector_load_idx %arg12[%broadcast_in_dim3A_90, %add3A_93] : memref<64x128xf32, #tpu.memory_space<vmem>>[vector<16xi32>, vector<16xi32>], vector<16xf32>,
        %mul3A_95 = arith.mulf %gather3A, %gather3A_94 : vector<16xf32>
        %add3A_96 = arith.addf %scan3A_82, %mul3A_95 : vector<16xf32>
        %add3A_97 = arith.constant 16 : i32
        %add3A_98 = vector.broadcast %add3A_97 : i32 to vector<16xi32>
        %add3A_99 = arith.addi %add3A_98, %iota3A : vector<16xi32>
        %gather3A_100 = tpu.vector_load_idx %arg12[%broadcast_in_dim3A_90, %add3A_99] : memref<64x128xf32, #tpu.memory_space<vmem>>[vector<16xi32>, vector<16xi32>], vector<16xf32>,
        %mul3A_101 = arith.mulf %gather3A, %gather3A_100 : vector<16xf32>
        %add3A_102 = arith.addf %scan3A_83, %mul3A_101 : vector<16xf32>
        %add3A_103 = arith.constant 32 : i32
        %add3A_104 = vector.broadcast %add3A_103 : i32 to vector<16xi32>
        %add3A_105 = arith.addi %add3A_104, %iota3A : vector<16xi32>
        %gather3A_106 = tpu.vector_load_idx %arg12[%broadcast_in_dim3A_90, %add3A_105] : memref<64x128xf32, #tpu.memory_space<vmem>>[vector<16xi32>, vector<16xi32>], vector<16xf32>,
        %mul3A_107 = arith.mulf %gather3A, %gather3A_106 : vector<16xf32>
        %add3A_108 = arith.addf %scan3A_84, %mul3A_107 : vector<16xf32>
        %add3A_109 = arith.constant 48 : i32
        %add3A_110 = vector.broadcast %add3A_109 : i32 to vector<16xi32>
        %add3A_111 = arith.addi %add3A_110, %iota3A : vector<16xi32>
        %gather3A_112 = tpu.vector_load_idx %arg12[%broadcast_in_dim3A_90, %add3A_111] : memref<64x128xf32, #tpu.memory_space<vmem>>[vector<16xi32>, vector<16xi32>], vector<16xf32>,
        %mul3A_113 = arith.mulf %gather3A, %gather3A_112 : vector<16xf32>
        %add3A_114 = arith.addf %scan3A_85, %mul3A_113 : vector<16xf32>
        %add3A_115 = arith.constant 64 : i32
        %add3A_116 = vector.broadcast %add3A_115 : i32 to vector<16xi32>
        %add3A_117 = arith.addi %add3A_116, %iota3A : vector<16xi32>
        %gather3A_118 = tpu.vector_load_idx %arg12[%broadcast_in_dim3A_90, %add3A_117] : memref<64x128xf32, #tpu.memory_space<vmem>>[vector<16xi32>, vector<16xi32>], vector<16xf32>,
        %mul3A_119 = arith.mulf %gather3A, %gather3A_118 : vector<16xf32>
        %add3A_120 = arith.addf %scan3A_86, %mul3A_119 : vector<16xf32>
        %add3A_121 = arith.constant 80 : i32
        %add3A_122 = vector.broadcast %add3A_121 : i32 to vector<16xi32>
        %add3A_123 = arith.addi %add3A_122, %iota3A : vector<16xi32>
        %gather3A_124 = tpu.vector_load_idx %arg12[%broadcast_in_dim3A_90, %add3A_123] : memref<64x128xf32, #tpu.memory_space<vmem>>[vector<16xi32>, vector<16xi32>], vector<16xf32>,
        %mul3A_125 = arith.mulf %gather3A, %gather3A_124 : vector<16xf32>
        %add3A_126 = arith.addf %scan3A_87, %mul3A_125 : vector<16xf32>
        %add3A_127 = arith.constant 96 : i32
        %add3A_128 = vector.broadcast %add3A_127 : i32 to vector<16xi32>
        %add3A_129 = arith.addi %add3A_128, %iota3A : vector<16xi32>
        %gather3A_130 = tpu.vector_load_idx %arg12[%broadcast_in_dim3A_90, %add3A_129] : memref<64x128xf32, #tpu.memory_space<vmem>>[vector<16xi32>, vector<16xi32>], vector<16xf32>,
        %mul3A_131 = arith.mulf %gather3A, %gather3A_130 : vector<16xf32>
        %add3A_132 = arith.addf %scan3A_88, %mul3A_131 : vector<16xf32>
        %add3A_133 = arith.constant 112 : i32
        %add3A_134 = vector.broadcast %add3A_133 : i32 to vector<16xi32>
        %add3A_135 = arith.addi %add3A_134, %iota3A : vector<16xi32>
        %gather3A_136 = tpu.vector_load_idx %arg12[%broadcast_in_dim3A_90, %add3A_135] : memref<64x128xf32, #tpu.memory_space<vmem>>[vector<16xi32>, vector<16xi32>], vector<16xf32>,
        %mul3A_137 = arith.mulf %gather3A, %gather3A_136 : vector<16xf32>
        %add3A_138 = arith.addf %scan3A_89, %mul3A_137 : vector<16xf32>
        scf.yield %add3A_96, %add3A_102, %add3A_108, %add3A_114, %add3A_120, %add3A_126, %add3A_132, %add3A_138 : vector<16xf32>, vector<16xf32>, vector<16xf32>, vector<16xf32>, vector<16xf32>, vector<16xf32>, vector<16xf32>, vector<16xf32>
      }
      %scan3A_64 = arith.constant 64 : i32
      %swap3A_65 = arith.constant 0 : index
      %swap3A_66 = tpu.vector_load %arg14[%swap3A_65] {strides = array<i32>} : memref<128xf32, #tpu.memory_space<vmem>>, vector<16xf32>,
      tpu.vector_store %arg14[%swap3A_65], %scan3A_63#0 {strides = array<i32>} : memref<128xf32, #tpu.memory_space<vmem>>, vector<16xf32>,
      %swap3A_67 = arith.constant 16 : index
      %swap3A_68 = tpu.vector_load %arg14[%swap3A_67] {strides = array<i32>} : memref<128xf32, #tpu.memory_space<vmem>>, vector<16xf32>,
      tpu.vector_store %arg14[%swap3A_67], %scan3A_63#1 {strides = array<i32>} : memref<128xf32, #tpu.memory_space<vmem>>, vector<16xf32>,
      %swap3A_69 = arith.constant 32 : index
      %swap3A_70 = tpu.vector_load %arg14[%swap3A_69] {strides = array<i32>} : memref<128xf32, #tpu.memory_space<vmem>>, vector<16xf32>,
      tpu.vector_store %arg14[%swap3A_69], %scan3A_63#2 {strides = array<i32>} : memref<128xf32, #tpu.memory_space<vmem>>, vector<16xf32>,
      %swap3A_71 = arith.constant 48 : index
      %swap3A_72 = tpu.vector_load %arg14[%swap3A_71] {strides = array<i32>} : memref<128xf32, #tpu.memory_space<vmem>>, vector<16xf32>,
      tpu.vector_store %arg14[%swap3A_71], %scan3A_63#3 {strides = array<i32>} : memref<128xf32, #tpu.memory_space<vmem>>, vector<16xf32>,
      %swap3A_73 = arith.constant 64 : index
      %swap3A_74 = tpu.vector_load %arg14[%swap3A_73] {strides = array<i32>} : memref<128xf32, #tpu.memory_space<vmem>>, vector<16xf32>,
      tpu.vector_store %arg14[%swap3A_73], %scan3A_63#4 {strides = array<i32>} : memref<128xf32, #tpu.memory_space<vmem>>, vector<16xf32>,
      %swap3A_75 = arith.constant 80 : index
      %swap3A_76 = tpu.vector_load %arg14[%swap3A_75] {strides = array<i32>} : memref<128xf32, #tpu.memory_space<vmem>>, vector<16xf32>,
      tpu.vector_store %arg14[%swap3A_75], %scan3A_63#5 {strides = array<i32>} : memref<128xf32, #tpu.memory_space<vmem>>, vector<16xf32>,
      %swap3A_77 = arith.constant 96 : index
      %swap3A_78 = tpu.vector_load %arg14[%swap3A_77] {strides = array<i32>} : memref<128xf32, #tpu.memory_space<vmem>>, vector<16xf32>,
      tpu.vector_store %arg14[%swap3A_77], %scan3A_63#6 {strides = array<i32>} : memref<128xf32, #tpu.memory_space<vmem>>, vector<16xf32>,
      %swap3A_79 = arith.constant 112 : index
      %swap3A_80 = tpu.vector_load %arg14[%swap3A_79] {strides = array<i32>} : memref<128xf32, #tpu.memory_space<vmem>>, vector<16xf32>,
      tpu.vector_store %arg14[%swap3A_79], %scan3A_63#7 {strides = array<i32>} : memref<128xf32, #tpu.memory_space<vmem>>, vector<16xf32>,
      "tpu.region"() ({
        %run_scoped3A = tpu.sem_alloc : memref<!tpu.dma_semaphore, #tpu.memory_space<semaphore_mem>>
        %dma_start3A_81 = arith.constant 0 : i32
        %dma_start3A_82 = tpu.memref_slice %arg7[%add3A_10, %dma_start3A_81] : memref<576x128xf32, #tpu.memory_space<hbm>> -> memref<1x128xf32, #tpu.memory_space<hbm>>
        %dma_start3A_83 = tpu.memref_squeeze %dma_start3A_82 : memref<1x128xf32, #tpu.memory_space<hbm>> -> memref<128xf32, #tpu.memory_space<hbm>>
        %dma_start3A_84 = arith.constant 0 : i32
        %dma_start3A_85 = tpu.memref_slice %arg7[%add3A_10, %dma_start3A_84] : memref<576x128xf32, #tpu.memory_space<hbm>> -> memref<1x128xf32, #tpu.memory_space<hbm>>
        %dma_start3A_86 = tpu.memref_squeeze %dma_start3A_85 : memref<1x128xf32, #tpu.memory_space<hbm>> -> memref<128xf32, #tpu.memory_space<hbm>>
        tpu.enqueue_dma source(%arg14 : memref<128xf32, #tpu.memory_space<vmem>>) target(%dma_start3A_86 : memref<128xf32, #tpu.memory_space<hbm>>) target_semaphore(%run_scoped3A : memref<!tpu.dma_semaphore, #tpu.memory_space<semaphore_mem>>)
        %dma_wait3A_87 = arith.constant 0 : i32
        %dma_wait3A_88 = tpu.memref_slice %arg7[%add3A_10, %dma_wait3A_87] : memref<576x128xf32, #tpu.memory_space<hbm>> -> memref<1x128xf32, #tpu.memory_space<hbm>>
        %dma_wait3A_89 = tpu.memref_squeeze %dma_wait3A_88 : memref<1x128xf32, #tpu.memory_space<hbm>> -> memref<128xf32, #tpu.memory_space<hbm>>
        %dma_wait3A_90 = arith.constant 0 : i32
        %dma_wait3A_91 = tpu.memref_slice %arg7[%add3A_10, %dma_wait3A_90] : memref<576x128xf32, #tpu.memory_space<hbm>> -> memref<1x128xf32, #tpu.memory_space<hbm>>
        %dma_wait3A_92 = tpu.memref_squeeze %dma_wait3A_91 : memref<1x128xf32, #tpu.memory_space<hbm>> -> memref<128xf32, #tpu.memory_space<hbm>>
        tpu.wait_dma2 semaphore(%run_scoped3A : memref<!tpu.dma_semaphore, #tpu.memory_space<semaphore_mem>>) src(%arg14 : memref<128xf32, #tpu.memory_space<vmem>>) dst(%dma_wait3A_92 : memref<128xf32, #tpu.memory_space<hbm>>)
        tpu.yield
      }) : () -> ()
    }
    %scan3A_6 = arith.constant 18 : i32
    return
  }
}

module attributes {stable_mosaic.version = 14 : i64} {
  func.func @body(%arg0: memref<572x128xf32, #tpu.memory_space<vmem>>, %arg1: memref<572x128xf32, #tpu.memory_space<vmem>>, %arg2: memref<128x128xf32, #tpu.memory_space<vmem>>, %arg3: memref<128x128xf32, #tpu.memory_space<vmem>>, %arg4: memref<1x128xf32, #tpu.memory_space<vmem>>, %arg5: memref<1x128xf32, #tpu.memory_space<vmem>>, %arg6: memref<1x128xf32, #tpu.memory_space<vmem>>, %arg7: memref<572x128xf32, #tpu.memory_space<vmem>>) attributes {dimension_semantics = [], scalar_prefetch = 0 : i64, scratch_operands = 0 : i64, tpu.core_type = #tpu.core_type<tc>} {
    %get3A = arith.constant 0 : index
    %get3A_0 = arith.constant 0 : index
    %get3A_1 = vector.load %arg0[%get3A, %get3A_0] : memref<572x128xf32, #tpu.memory_space<vmem>>, vector<572x128xf32>
    %get3A_2 = arith.constant 0 : index
    %get3A_3 = arith.constant 0 : index
    %get3A_4 = vector.load %arg2[%get3A_2, %get3A_3] : memref<128x128xf32, #tpu.memory_space<vmem>>, vector<128x128xf32>
    %dot_general3A = arith.constant dense<0.000000e+00> : vector<572x128xf32>
    %dot_general3A_5 = tpu.matmul %get3A_1, %get3A_4, %dot_general3A {dimension_numbers = #tpu.dot_dimension_numbers<[1], [0], [0], [1], [0, 0, 1, 1], [], []>, transpose_lhs_hint = false} : vector<572x128xf32>, vector<128x128xf32>, vector<572x128xf32> -> vector<572x128xf32>
    %get3A_6 = arith.constant 0 : index
    %get3A_7 = arith.constant 0 : index
    %get3A_8 = vector.load %arg1[%get3A_6, %get3A_7] : memref<572x128xf32, #tpu.memory_space<vmem>>, vector<572x128xf32>
    %get3A_9 = arith.constant 0 : index
    %get3A_10 = arith.constant 0 : index
    %get3A_11 = vector.load %arg3[%get3A_9, %get3A_10] : memref<128x128xf32, #tpu.memory_space<vmem>>, vector<128x128xf32>
    %dot_general3A_12 = arith.constant dense<0.000000e+00> : vector<572x128xf32>
    %dot_general3A_13 = tpu.matmul %get3A_8, %get3A_11, %dot_general3A_12 {dimension_numbers = #tpu.dot_dimension_numbers<[1], [0], [0], [1], [0, 0, 1, 1], [], []>, transpose_lhs_hint = false} : vector<572x128xf32>, vector<128x128xf32>, vector<572x128xf32> -> vector<572x128xf32>
    %add3A = arith.addf %dot_general3A_5, %dot_general3A_13 : vector<572x128xf32>
    %get3A_14 = arith.constant 0 : index
    %get3A_15 = arith.constant 0 : index
    %get3A_16 = vector.load %arg4[%get3A_14, %get3A_15] : memref<1x128xf32, #tpu.memory_space<vmem>>, vector<1x128xf32>
    %add3A_17 = vector.broadcast %get3A_16 : vector<1x128xf32> to vector<572x128xf32>
    %add3A_18 = arith.addf %add3A, %add3A_17 : vector<572x128xf32>
    %max3A = arith.constant 0.000000e+00 : f32
    %max3A_19 = vector.broadcast %max3A : f32 to vector<572x128xf32>
    %max3A_20 = arith.maximumf %add3A_18, %max3A_19 : vector<572x128xf32>
    %reduce_sum3A = arith.constant dense<0.000000e+00> : vector<128xf32>
    %reduce_sum3A_21 = vector.multi_reduction <add>, %max3A_20, %reduce_sum3A [0] : vector<572x128xf32> to vector<128xf32>
    %broadcast_in_dim3A = vector.shape_cast %reduce_sum3A_21 : vector<128xf32> to vector<1x128xf32>
    %div3A = arith.constant 5.720000e+02 : f32
    %div3A_22 = vector.broadcast %div3A : f32 to vector<1x128xf32>
    %div3A_23 = arith.divf %broadcast_in_dim3A, %div3A_22 : vector<1x128xf32>
    %sub3A = vector.broadcast %div3A_23 : vector<1x128xf32> to vector<572x128xf32>
    %sub3A_24 = arith.subf %max3A_20, %sub3A : vector<572x128xf32>
    %integer_pow3A = arith.mulf %sub3A_24, %sub3A_24 : vector<572x128xf32>
    %reduce_sum3A_25 = arith.constant dense<0.000000e+00> : vector<128xf32>
    %reduce_sum3A_26 = vector.multi_reduction <add>, %integer_pow3A, %reduce_sum3A_25 [0] : vector<572x128xf32> to vector<128xf32>
    %broadcast_in_dim3A_27 = vector.shape_cast %reduce_sum3A_26 : vector<128xf32> to vector<1x128xf32>
    %div3A_28 = arith.constant 5.720000e+02 : f32
    %div3A_29 = vector.broadcast %div3A_28 : f32 to vector<1x128xf32>
    %div3A_30 = arith.divf %broadcast_in_dim3A_27, %div3A_29 : vector<1x128xf32>
    %get3A_31 = arith.constant 0 : index
    %get3A_32 = arith.constant 0 : index
    %get3A_33 = vector.load %arg5[%get3A_31, %get3A_32] : memref<1x128xf32, #tpu.memory_space<vmem>>, vector<1x128xf32>
    %sub3A_34 = vector.broadcast %div3A_23 : vector<1x128xf32> to vector<572x128xf32>
    %sub3A_35 = arith.subf %max3A_20, %sub3A_34 : vector<572x128xf32>
    %mul3A = vector.broadcast %get3A_33 : vector<1x128xf32> to vector<572x128xf32>
    %mul3A_36 = arith.mulf %mul3A, %sub3A_35 : vector<572x128xf32>
    %add3A_37 = arith.constant 9.99999974E-6 : f32
    %add3A_38 = vector.broadcast %add3A_37 : f32 to vector<1x128xf32>
    %add3A_39 = arith.addf %div3A_30, %add3A_38 : vector<1x128xf32>
    %rsqrt3A = math.rsqrt %add3A_39 : vector<1x128xf32>
    %mul3A_40 = vector.broadcast %rsqrt3A : vector<1x128xf32> to vector<572x128xf32>
    %mul3A_41 = arith.mulf %mul3A_36, %mul3A_40 : vector<572x128xf32>
    %get3A_42 = arith.constant 0 : index
    %get3A_43 = arith.constant 0 : index
    %get3A_44 = vector.load %arg6[%get3A_42, %get3A_43] : memref<1x128xf32, #tpu.memory_space<vmem>>, vector<1x128xf32>
    %add3A_45 = vector.broadcast %get3A_44 : vector<1x128xf32> to vector<572x128xf32>
    %add3A_46 = arith.addf %mul3A_41, %add3A_45 : vector<572x128xf32>
    %swap3A = arith.constant 0 : index
    %swap3A_47 = arith.constant 0 : index
    %swap3A_48 = vector.load %arg7[%swap3A, %swap3A_47] : memref<572x128xf32, #tpu.memory_space<vmem>>, vector<572x128xf32>
    tpu.vector_store %arg7[%swap3A, %swap3A_47], %add3A_46 {strides = array<i32>} : memref<572x128xf32, #tpu.memory_space<vmem>>, vector<572x128xf32>,
    return
  }
}

</mosaic_0001>

<sc_bundles>
// kernel: kernel.4.cloned.1.call-start
scs
__scs_entry_jumppad:
0x0: {  	(pc) =	sbr.rel $0x88, $3  }
0x1: {  	(tag) =	ssettag $0x0;
	lr =	simm.s32 $0x1  }
0x2: {  	[smem:$0x3F97] =	sst lr;
	_ =	strace $0xD0000000  }
0x3: {  	_ = 	snop  }
0x4: {  	_ = 	snop  }
0x5: {  	_ = 	snop  }
0x6: {  	_ = 	snop  }
0x7: {  	_ = 	snop  }
__scs_overlays_trampoline_lowered:
0x8: {  	[smem:$0x3FA6] =	sst s0  }
0x9: {  	[smem:$0x3FA7] =	sst s1  }
0xa: {  	[smem:$0x3FA8] =	sst s2  }
0xb: {  	[smem:$0x3FA9] =	sst s3  }
0xc: {  	[smem:$0x3FAA] =	sst s4  }
0xd: {  	[smem:$0x3FAB] =	sst s5  }
0xe: {  	[smem:$0x3FAC] =	sst s6  }
0xf: {  	[smem:$0x3FAD] =	sst s7  }
0x10: {  	[smem:$0x3FAE] =	sst s8  }
0x11: {  	[smem:$0x3FAF] =	sst s9;
	s0 =	simm.s32 @!p0 $0x0  }
0x12: {  	s1 =	sld [smem:$0x3F95];
	s0 =	simm.s32 @p0 $0x1  }
0x13: {  	[smem:$0x3FB0] =	sst s0;
	s0 =	simm.s32 @!p1 $0x0  }
0x14: {  	s2 =	sld [smem:$0x3F94];
	s0 =	simm.s32 @p1 $0x1  }
0x15: {  	[smem:$0x3FB1] =	sst s0;
	s0 =	simm.s32 @!p2 $0x0  }
0x16: {  	s3 =	sld [smem:$0x3FDB];
	s0 =	simm.s32 @p2 $0x1  }
0x17: {  	s4 =	simm.s32 $0x1BF5;
	[smem:$0x3FB3] =	sst s0  }
0x18: {  	s0 =	sld [smem:$0x3F96];
	_ =	swait.ge [sflag:s4], $0x0  }
0x19: {  	s7 =	sld [smem:$0x3F97]  }
0x1a: {  	s8 =	sadd.s32 $0xFFFFE003, lr  }
0x1b: {  	s9 =	sadd.s32 $0xFFFFFEF7, lr;
	s5 =	simm.s32 $0xFFFFFFFF;
	p2 =	slt.u32 s8, $0xFFFFF086  }
0x1c: {  	p1 =	slt.u32 s9, $0xF7A;
	s5 =	simm.s32 @!p2 $0x0  }
0x1d: {  	s5 =	simm.s32 @p1 $0x1;
	p0 =	seq.s32 s7, s2  }
0x1e: {  	s7 =	smul.u32 @!p0 $0xF7A, s2;
	p2 =	seq.s32 @!p0 s5, $0x0  }
0x1f: {  	s9 =	smul.u32 $0xF7A, s1;
	s8 =	simm.s32 @!p0 $0x1BF5;
	p2 =	por !p2, p0  }
0x20: {  	[sflag:s8] =	ssyncset.s32 @!p0 $0xFFFFF086;
	s6 =	sadd.s32 @!p0 s3, s7;
	s7 =	simm.s32 @!p0 $0x108  }
0x21: {  	s3 =	sadd.s32 s3, s9;
	s6 =	sadd.s32 @!p0 $0x88, s6;
	s7 =	simm.s32 @p2 $0x1082  }
0x22: {  	[simem:s7], [sflag:s8] =	dma.local @!p0 [hbm:s6], $0xF7A  }
0x23: {  	s9 =	sor.u32 $0xD0000000, s2;
	s6 =	simm.s32 $0x108;
	_ =	swait.ge @!p0 [sflag:s8], $0x0  }
0x24: {  	s3 =	sadd.s32 $0x88, s3;
	s6 =	simm.s32 @!p1 $0x1082;
	[sflag:s4] =	ssyncset.s32 $0xFFFFF086  }
0x25: {  	[simem:s6], [sflag:s4] =	dma.local [hbm:s3], $0xF7A  }
0x26: {  	[smem:$0x3F97] =	sst s1;
	(tag) =	ssettag s2;
	_ =	strace s9  }
0x27: {  	s1 =	sld [smem:$0x3FA7]  }
0x28: {  	s2 =	sld [smem:$0x3FA8]  }
0x29: {  	s4 =	sld [smem:$0x3FAA]  }
0x2a: {  	p0 =	seq.s32 s5, $0x0;
	s5 =	sld [smem:$0x3FAB]  }
0x2b: {  	s6 =	sld [smem:$0x3FAC]  }
0x2c: {  	s7 =	sld [smem:$0x3FAD]  }
0x2d: {  	s3 =	simm.s32 $0x108;
	s8 =	sld [smem:$0x3FAE]  }
0x2e: {  	s3 =	simm.s32 @!p0 $0x1082;
	s9 =	sld [smem:$0x3FAF]  }
0x2f: {  	lr =	sadd.s32 s0, s3;
	s0 =	sld [smem:$0x3FA6]  }
0x30: {  	s3 =	sld [smem:$0x3FA9]  }
0x31: {  	[smem:$0x3FB2] =	sst s10  }
0x32: {  	s10 =	sld [smem:$0x3FB0];
	_ =	sdelay $0x3  }
0x33: {  	p0 =	seq.s32 s10, $0x1;
	s10 =	sld [smem:$0x3FB2];
	_ =	sdelay $0x3  }
0x34: {  	[smem:$0x3FB2] =	sst s10  }
0x35: {  	s10 =	sld [smem:$0x3FB1];
	_ =	sdelay $0x3  }
0x36: {  	p1 =	seq.s32 s10, $0x1;
	s10 =	sld [smem:$0x3FB2];
	_ =	sdelay $0x3  }
0x37: {  	[smem:$0x3FB2] =	sst s10  }
0x38: {  	s10 =	sld [smem:$0x3FB3]  }
0x39: {  	_ = 	snop;
	(pc) =	sbr.ind lr, $3  }
0x3a: {  	_ = 	snop  }
0x3b: {  	_ = 	snop  }
0x3c: {  	p2 =	seq.s32 s10, $0x1;
	s10 =	sld [smem:$0x3FB2]  }
0x3d: {  	_ =	shalt  }
0x3e: {  	_ =	shalt  }
0x3f: {  	_ =	shalt  }
0x40: {  	_ =	shalt  }
0x41: {  	_ =	shalt  }
0x42: {  	_ =	shalt  }
0x43: {  	_ =	shalt  }
0x44: {  	_ =	shalt  }
0x45: {  	_ =	shalt  }
0x46: {  	_ =	shalt  }
0x47: {  	_ =	shalt  }
0x48: {  	_ =	shalt  }
0x49: {  	_ =	shalt  }
0x4a: {  	_ =	shalt  }
0x4b: {  	_ =	shalt  }
0x4c: {  	_ =	shalt  }
0x4d: {  	_ =	shalt  }
0x4e: {  	_ =	shalt  }
0x4f: {  	_ =	shalt  }
0x50: {  	_ =	shalt  }
0x51: {  	_ =	shalt  }
0x52: {  	_ =	shalt  }
0x53: {  	_ =	shalt  }
0x54: {  	_ =	shalt  }
0x55: {  	_ =	shalt  }
0x56: {  	_ =	shalt  }
0x57: {  	_ =	shalt  }
0x58: {  	_ =	shalt  }
0x59: {  	_ =	shalt  }
0x5a: {  	_ =	shalt  }
0x5b: {  	_ =	shalt  }
0x5c: {  	_ =	shalt  }
0x5d: {  	_ =	shalt  }
0x5e: {  	_ =	shalt  }
0x5f: {  	_ =	shalt  }
0x60: {  	_ =	shalt  }
0x61: {  	_ =	shalt  }
0x62: {  	_ =	shalt  }
0x63: {  	_ =	shalt  }
0x64: {  	_ =	shalt  }
0x65: {  	_ =	shalt  }
0x66: {  	_ =	shalt  }
0x67: {  	_ =	shalt  }
0x68: {  	_ =	shalt  }
0x69: {  	_ =	shalt  }
0x6a: {  	_ =	shalt  }
0x6b: {  	_ =	shalt  }
0x6c: {  	_ =	shalt  }
0x6d: {  	_ =	shalt  }
0x6e: {  	_ =	shalt  }
0x6f: {  	_ =	shalt  }
0x70: {  	_ =	shalt  }
0x71: {  	_ =	shalt  }
0x72: {  	_ =	shalt  }
0x73: {  	_ =	shalt  }
0x74: {  	_ =	shalt  }
0x75: {  	_ =	shalt  }
0x76: {  	_ =	shalt  }
0x77: {  	_ =	shalt  }
0x78: {  	_ =	shalt  }
0x79: {  	_ =	shalt  }
0x7a: {  	_ =	shalt  }
0x7b: {  	_ =	shalt  }
0x7c: {  	_ =	shalt  }
0x7d: {  	_ =	shalt  }
0x7e: {  	_ =	shalt  }
0x7f: {  	_ =	shalt  }
0x80: {  	_ =	shalt  }
0x81: {  	_ =	shalt  }
0x82: {  	_ =	shalt  }
0x83: {  	_ =	shalt  }
0x84: {  	_ =	shalt  }
0x85: {  	_ =	shalt  }
0x86: {  	_ =	shalt  }
0x87: {  	_ =	shalt  }
.Lfunc_end0:
.L_simem_size_0:
called_computation_lowered:
.L_overlay_start_0:
0x88: {  	s2 =	sld [smem:$0x3FD9]  }
0x89: {  	s3 =	sld [smem:$0x3FFE];
	_ =	sdelay $0x1  }
0x8a: {  	s1 =	srdreg.scid  }
0x8b: {  	s0 =	sand.u32 $0x1, s1  }
0x8c: {  	s14 =	sshll.u32 s0, $0xA;
	s2 =	sadd.s32 s3, s2  }
0x8d: {  	s2 =	sadd.s32 s2, s14  }
0x8e: {  	[smem:$0x3FBE] =	sst s2  }
0x8f: {  	_ = 	snop  }
0x90: {  	s2 =	sld [smem:$0x3FD0];
	_ =	sdelay $0x1  }
0x91: {  	s15 =	sld [smem:$0x3FC5]  }
0x92: {  	s5 =	simm.s32 $0xA;
	s6 =	simm.s32 $0x10;
	s4 =	sld [smem:$0x3FC4]  }
0x93: {  	[smem:s6], [sflag:s5] =	dma.local [hbm:s2], $0x1  }
0x94: {  	_ =	swait.eq [sflag:s5], $0x1  }
0x95: {  	[sflag:s5] =	ssyncset.done $0x0  }
0x96: {  	s16 =	sld [smem:$0x10];
	[sflag:s5] =	ssyncadd.s32 $0xFFFFFFFF  }
0x97: {  	s17 =	sld [smem:$0x11];
	(tm) =	ssettm $0x1  }
0x98: {  	s18 =	sld [smem:$0x3FFB];
	_ =	sdelay $0x3  }
0x99: {  	_ =	strace s18  }
0x9a: {  	s6 =	sld [smem:$0x3FFC];
	_ =	sdelay $0x3  }
0x9b: {  	_ =	strace s6  }
0x9c: {  	s6 =	sld [smem:$0x3FFD];
	_ =	sdelay $0x3  }
0x9d: {  	_ =	strace s6  }
0x9e: {  	_ =	strace $0x8FFFFFFF  }
0x9f: {  	s19 =	sld [smem:$0x3FDB];
	_ =	sdelay $0x1  }
0xa0: {  	s7 =	simm.s32 $_scs_section_size  }
0xa1: {  	s8 =	simm.s32 $_size__tile_overlayer_lowered;
	s9 =	simm.s32 $_tile_overlayer_lowered  }
0xa2: {  	s22 =	simm.s32 $0x1BFF;
	s21 =	sshll.u32 s9, $0x1;
	s6 =	sadd.s32 s7, s19  }
0xa3: {  	s10 =	simm.s32 $0x0;
	s20 =	sshll.u32 s8, $0x1;
	s8 =	sadd.s32 s21, s6  }
0xa4: {  	[timem:s10], [sflag:s22] =	dma.local [hbm:s8], s20  }
0xa5: {  	_ =	swait.ge [sflag:s22], s20  }
0xa6: {  	s7 =	ssub.s32 $0x0, s20;
	[sflag:s22] =	ssyncset.done $0x0  }
0xa7: {  	[sflag:s22] =	ssyncadd.s32 s7;
	_ =	sdelay $0x1  }
0xa8: {  	s23 =	simm.s32 $0x1B8B  }
0xa9: {  	_ =	swait.ge [sflag:s23], $0x1  }
0xaa: {  	[sflag:s23] =	ssyncset.done $0x0  }
0xab: {  	s25 =	simm.s32 $0x1B8E;
	s24 =	sld [smem:$0x3FFE];
	[sflag:s23] =	ssyncadd.s32 $0xFFFFFFFF  }
0xac: {  	s26 =	simm.s32 $execute0_lowered;
	[smem:$0x3FD2] =	sst s25  }
0xad: {  	s8 =	sshll.u32 s26, $0x1;
	_ =	strace $0x80000046;
	[dreg:$0x1] =	wrdreg $0xFFFFFFFF  }
0xae: {  	s28 =	simm.s32 $_size_execute0_lowered;
	s6 =	sadd.s32 s6, s8;
	[dreg:$0x0] =	wrdreg $0x0  }
0xaf: {  	s8 =	sshll.u32 s28, $0x1;
	[dreg:$0x2] =	wrdreg s6  }
0xb0: {  	[dreg:$0x3] =	wrdreg s8  }
0xb1: {  	[dreg:$0x4] =	wrdreg $0xC0  }
0xb2: {  	_ =	task [dreg:s10], $0x5FFFF  }
0xb3: {  	[dreg:$0x1] =	wrdreg $0xFFFFFFFF  }
0xb4: {  	[dreg:$0x0] =	wrdreg $0x60  }
0xb5: {  	[dreg:$0x2] =	wrdreg s17  }
0xb6: {  	[dreg:$0x3] =	wrdreg s16  }
0xb7: {  	[dreg:$0x4] =	wrdreg s24  }
0xb8: {  	[dreg:$0x5] =	wrdreg s15  }
0xb9: {  	[dreg:$0x6] =	wrdreg s4  }
0xba: {  	[dreg:$0x7] =	wrdreg $0x9  }
0xbb: {  	_ =	task.clear_ibuf [dreg:s10], $0x8FFFF;
	_ =	strace $0x90000046  }
0xbc: {  	s29 =	simm.s32 $0x9;
	_ =	strace $0x80000048  }
0xbd: {  	_ =	swait.ge [sflag:s29], $0x1  }
0xbe: {  	[sflag:s29] =	ssyncadd.s32 $0xFFFFFFFF  }
0xbf: {  	_ =	strace $0x90000048  }
0xc0: {  	_ =	sfence  }
0xc1: {  	s30 =	sld [smem:$0x0];
	_ =	sdelay $0x2  }
0xc2: {  	s31 =	sshll.u32 s1, $0xD;
	s1 =	sshrl.u32 s1, $0x2  }
0xc3: {  	s3 =	sand.u32 $0x4000, s31;
	s1 =	sadd.s32 s1, s30  }
0xc4: {  	s0 =	sor.u32 s3, s0;
	s1 =	sshll.u32 s1, $0x11  }
0xc5: {  	s0 =	sor.u32 s1, s0  }
0xc6: {  	s0 =	sadd.s32 $0x8F2B, s0  }
0xc7: {  	[sflag:s0] =	ssyncadd.remote.s32 $0x1  }
0xc8: {  	_ =	sfence.sel $0xFFFF  }
0xc9: {  	[dreg:$0x0] =	wrdreg $0xFFFFFFFF;
	(pc) =	sbr.abs _section_cstart, $3  }
0xca: {  	[dreg:$0x1] =	wrdreg $0xFFFFFFFF  }
0xcb: {  	_ =	task.clear_ibuf [dreg:s10], $0x2FFFF;
	_ =	strace $0x9FFFFFFF  }
0xcc: {  	(tm) =	ssettm $0x7FFFFFFF  }
0xcd: {  	_ =	shalt  }
tec
execute0_lowered:
.L_overlay_start_1:
0x0: {  	(tag) =	ssettag $0x1  }
0x1: {  	s1 =	rddreg [dreg:$0x0]  }
0x2: {  	s2 =	rddreg [dreg:$0x1]  }
0x3: {  	s8 =	rddreg [dreg:$0x2]  }
0x4: {  	s3 =	rddreg [dreg:$0x3]  }
0x5: {  	s4 =	rddreg [dreg:$0x4]  }
0x6: {  	s0 =	rddreg [dreg:$0x5];
	s6 =	simm.s32 $0x0;
	s7 =	srdreg.scid  }
0x7: {  	s5 =	stileid.u32;
	s13 =	simm.s32 $0x100;
	s14 =	simm.s32 $0x40  }
0x8: {  	s15 =	simm.s32 $0x180;
	s16 =	simm.s32 $0x2180;
	s17 =	simm.s32 $0x1  }
0x9: {  	s18 =	simm.s32 $0x2;
	s19 =	simm.s32 $0x4180;
	s20 =	simm.s32 $0x4200  }
0xa: {  	v0 =	vlaneseq.u32;
	s21 =	simm.s32 $0x0;
	[smem:$0x7FF] =	sst s6;
	s9 =	sand.u32 $0x1, s7  }
0xb: {  	s11 =	sshll.u32 s5, $0x1;
	s7 =	sadd.s32 $0x1400, s8;
	v1 =	vmul.u32 $0x80, v0;
	v5 =	vor.u32 $0x10, v0;
	s10 =	ssub.s32 $0x2, s9  }
0xc: {  	s8 =	sadd.s32 $0x3800, s8;
	v6 =	vor.u32 $0x20, v0;
	v7 =	vor.u32 $0x30, v0;
	v8 =	vor.u32 $0x40, v0;
	_ =	strace $0x80000047;
	s12 =	sshrl.u32 s10, $0x1  }
0xd: {  	v9 =	vor.u32 $0x50, v0;
	v10 =	vor.u32 $0x60, v0;
	v11 =	vor.u32 $0x70, v0;
	s9 =	sor.u32 s9, s11;
	s11 =	simm.s32 $0x3;
	s10 =	ssub.s32 s10, s12  }
0xe: {  	s9 =	smul.u32 $0x12, s9;
	v2 =	vor.u32 $0x800, v1;
	v3 =	vor.u32 $0x1000, v1;
	v4 =	vor.u32 $0x1800, v1;
	s12 =	simm.s32 $0x80;
	s10 =	smax.u32 s10, $0x1  }
.LBB2_1:
0xf: {  	s22 =	simm.s32 $0x0  }
.LBB2_2:
0x10: {  	s23 =	sadd.s32 s9, s22  }
0x11: {  	s23 =	sshll.u32 s23, $0x4  }
0x12: {  	s25 =	simm.s32 $0x0;
	s24 =	sadd.s32 s2, s23  }
0x13: {  	[tilespmem:s25], [sflag:$0x3] =	stream.linear.gather [hbm4b:s24+s25], $0x80, $0x38;
	[tilespmem:$0x4280] =	vst v63  }
0x14: {  	_ =	swait.ge [sflag:s11], $0x80  }
0x15: {  	[sflag:s11] =	ssyncset.done $0x0  }
0x16: {  	s29 =	sadd.s32 s1, s23;
	[sflag:s11] =	ssyncadd.s32 $0xFFFFFF80  }
0x17: {  	[tilespmem:s12], [sflag:$0x3] =	stream.linear.gather [hbm4b:s29+s25], $0x80, $0x38;
	[tilespmem:$0x4280] =	vst v63  }
0x18: {  	_ =	swait.ge [sflag:s11], $0x80  }
0x19: {  	[sflag:s11] =	ssyncset.done $0x0  }
0x1a: {  	s30 =	sadd.s32 s7, s23;
	[sflag:s11] =	ssyncadd.s32 $0xFFFFFF80  }
0x1b: {  	[tilespmem:s13], [sflag:$0x3] =	stream.linear.gather [hbm4b:s30+s25], $0x80, $0x38;
	[tilespmem:$0x4280] =	vst v63  }
0x1c: {  	_ =	swait.ge [sflag:s11], $0x80  }
0x1d: {  	[sflag:s11] =	ssyncset.done $0x0  }
0x1e: {  	[sflag:s11] =	ssyncadd.s32 $0xFFFFFF80  }
0x1f: {  	[tilespmem:s15], [sflag:$0x1] =	stream.indirect.gather [hbm4b:s3+s14], $0x80, s25, s14, $0xb8;
	[tilespmem:$0x4280] =	vst v63  }
0x20: {  	v12 =	vor.u32 s25, v1  }
0x21: {  	v13 =	vor.u32 s25, v2;
	[tilespmem:s16], [sflag:$0x2] =	stream.indirect.gather [hbm4b:s4+s14], $0x80, s12, s14, $0xb8;
	[tilespmem:$0x4280] =	vst v63  }
0x22: {  	v14 =	vor.u32 s25, v3;
	_ =	swait.ge [sflag:s17], $0x2000  }
0x23: {  	v15 =	vmov s25;
	[sflag:s17] =	ssyncset.done $0x0  }
0x24: {  	s31 =	simm.s32 $0x1;
	v16 =	vor.u32 s25, v4;
	[sflag:s17] =	ssyncadd.s32 $0xFFFFE000  }
0x25: {  	v17 =	vor.u32 s31, v1;
	v25 =	vld.idx.msk [tilespmem:v12+s15+$0x0], $0xffff  }
0x26: {  	v21 =	vor.u32 s31, v2;
	v13 =	vld.idx.msk [tilespmem:v13+s15+$0x0], $0xffff  }
0x27: {  	v22 =	vor.u32 s31, v3;
	v14 =	vld.idx.msk [tilespmem:v14+s15+$0x0], $0xffff  }
0x28: {  	v23 =	vmov s31;
	v15 =	vld.idx.msk [tilespmem:v15+s13+$0x0], $0xffff  }
0x29: {  	v19 =	vimm.f32 $0.0e+00;
	v24 =	vor.u32 s31, v4;
	v18 =	vld.idx.msk [tilespmem:v16+s15+$0x0], $0xffff  }
0x2a: {  	v20 =	vimm.f32 $0.0e+00;
	s24 =	simm.s32 $0x2;
	v12 =	vimm.f32 $0.0e+00;
	v17 =	vld.idx.msk [tilespmem:v17+s15+$0x0], $0xffff;
	v16 =	vimm.f32 $0.0e+00  }
.LBB2_3:
0x2b: {  	v26 =	vor.u32 s24, v1;
	v27 =	vmov v13;
	v13 =	vld.idx.msk [tilespmem:v21+s15+$0x0], $0xffff;
	p0 =	sne.s32 s24, $0x7F  }
.Ltmp0:
0x2c: {  	v21 =	vor.u32 s24, v2;
	v28 =	vmov v14;
	v14 =	vld.idx.msk [tilespmem:v22+s15+$0x0], $0xffff;
	(pc) =	sbr.rel @p0 .LBB2_3-.Ltmp0, $4  }
0x2d: {  	v22 =	vor.u32 s24, v3;
	v30 =	vmul.f32 v25, v15;
	v27 =	vmul.f32 v27, v15;
	v29 =	vmovc v15;
	v15 =	vld.idx.msk [tilespmem:v23+s13+$0x0], $0xffff  }
0x2e: {  	v23 =	vmov s24;
	v28 =	vmul.f32 v28, v29;
	v29 =	vmul.f32 v18, v29;
	v18 =	vld.idx.msk [tilespmem:v24+s15+$0x0], $0xffff  }
0x2f: {  	v24 =	vor.u32 s24, v4;
	s24 =	sadd.s32 $0x1, s24;
	v12 =	vadd.f32 v30, v12;
	v19 =	vadd.f32 v27, v19  }
0x30: {  	v20 =	vadd.f32 v28, v20;
	v16 =	vadd.f32 v29, v16;
	v25 =	vmov v17;
	v17 =	vld.idx.msk [tilespmem:v26+s15+$0x0], $0xffff  }
0x31: {  	_ =	sdelay $0x3  }
0x32: {  	v21 =	vld.idx.msk [tilespmem:v21+s15+$0x0], $0xffff  }
0x33: {  	v22 =	vld.idx.msk [tilespmem:v22+s15+$0x0], $0xffff  }
0x34: {  	v23 =	vld.idx.msk [tilespmem:v23+s13+$0x0], $0xffff  }
0x35: {  	v24 =	vld.idx.msk [tilespmem:v24+s15+$0x0], $0xffff  }
0x36: {  	v25 =	vmul.f32 v25, v15;
	v13 =	vmul.f32 v13, v15  }
0x37: {  	v14 =	vmul.f32 v14, v15  }
0x38: {  	v15 =	vmul.f32 v18, v15;
	v12 =	vadd.f32 v25, v12;
	v13 =	vadd.f32 v13, v19  }
0x39: {  	v14 =	vadd.f32 v14, v20;
	v17 =	vmul.f32 v17, v23;
	v18 =	vmul.f32 v21, v23  }
0x3a: {  	v15 =	vadd.f32 v15, v16;
	v16 =	vmul.f32 v22, v23;
	v19 =	vmul.f32 v24, v23  }
0x3b: {  	v12 =	vadd.f32 v17, v12;
	v13 =	vadd.f32 v18, v13  }
0x3c: {  	v14 =	vadd.f32 v16, v14;
	v15 =	vadd.f32 v19, v15;
	_ =	sdelay $0x1  }
0x3d: {  	v16 =	vmax.f32 v12, v13;
	v17 =	vmax.f32 v14, v15  }
0x3e: {  	v16 =	vmax.f32 v16, v17  }
0x3f: {  	(xrf0) =	vmax.scan.msk.f32 $0xffff, v16;
	_ =	sdelay $0x5  }
0x40: {  	v16, _, _ =	vpop (xrf0)  }
0x41: {  	v16 =	vbroadcast v16, $0xF;
	_ =	sdelay $0x1  }
0x42: {  	v12 =	vsub.f32 v12, v16  }
0x43: {  	v13 =	vsub.f32 v13, v16  }
0x44: {  	v12 =	vmul.f32 $1.442695020e+00, v12  }
0x45: {  	v14 =	vsub.f32 v14, v16;
	v13 =	vmul.f32 $1.442695020e+00, v13  }
0x46: {  	(erf) = vpow2.f32 v12  }
0x47: {  	v12 =	vmul.f32 $1.442695020e+00, v14;
	(erf) = vpow2.f32 v13;
	v13 =	vsub.f32 v15, v16;
	_ =	sdelay $0x1  }
0x48: {  	(erf) = vpow2.f32 v12;
	v12 =	vmul.f32 $1.442695020e+00, v13;
	_ =	sdelay $0x1  }
0x49: {  	(erf) = vpow2.f32 v12;
	_ =	sdelay $0x3  }
0x4a: {  	v12 =	vpop (erf)  }
0x4b: {  	v13 =	vpop (erf)  }
0x4c: {  	v14 =	vadd.f32 v13, v12  }
0x4d: {  	v15 =	vpop (erf)  }
0x4e: {  	v14 =	vadd.f32 v14, v15  }
0x4f: {  	v16 =	vpop (erf)  }
0x50: {  	v14 =	vadd.f32 v14, v16;
	_ =	sdelay $0x1  }
0x51: {  	(xrf2) =	vadd.scan.msk.f32 $0xffff, v14;
	_ =	sdelay $0x9  }
0x52: {  	v14, _, _ =	vpop (xrf2)  }
0x53: {  	v14 =	vbroadcast v14, $0xF;
	_ =	sdelay $0x1  }
0x54: {  	(erf) = vrcp.f32 v14;
	_ =	sdelay $0x8  }
0x55: {  	v14 =	vpop (erf)  }
0x56: {  	v12 =	vmul.f32 v14, v12  }
0x57: {  	v13 =	vmul.f32 v14, v13  }
0x58: {  	s30 =	simm.s32 $0x1;
	[tilespmem:$0x4180] =	vst v12;
	v12 =	vmul.f32 v14, v15  }
0x59: {  	s24 =	simm.s32 $0x0;
	v22 =	vmov s30;
	[tilespmem:$0x4190] =	vst v13;
	v13 =	vmul.f32 v14, v16  }
0x5a: {  	v23 =	vshll.u32 v22, $0x7;
	v14 =	vmov s24;
	[tilespmem:$0x41A0] =	vst v12  }
0x5b: {  	v24 =	vor.u32 v0, v23;
	v12 =	vshll.u32 v14, $0x7;
	[tilespmem:$0x41B0] =	vst v13  }
0x5c: {  	v13 =	vor.u32 v0, v12;
	_ =	swait.ge [sflag:s18], $0x2000  }
0x5d: {  	v15 =	vor.u32 v5, v12;
	[sflag:s18] =	ssyncset.done $0x0  }
0x5e: {  	v16 =	vor.u32 v6, v12;
	[sflag:s18] =	ssyncadd.s32 $0xFFFFE000  }
0x5f: {  	v17 =	vor.u32 v11, v12;
	v19 =	vld.idx.msk [tilespmem:v14+s19+$0x0], $0xffff  }
0x60: {  	v25 =	vor.u32 v5, v23;
	v38 =	vld.idx.msk [tilespmem:v24+s16+$0x0], $0xffff  }
0x61: {  	v20 =	vor.u32 v7, v12;
	v13 =	vld.idx.msk [tilespmem:v13+s16+$0x0], $0xffff  }
0x62: {  	v14 =	vor.u32 v10, v12;
	v21 =	vld.idx.msk [tilespmem:v15+s16+$0x0], $0xffff  }
0x63: {  	v18 =	vor.u32 v9, v12;
	v12 =	vor.u32 v8, v12;
	v16 =	vld.idx.msk [tilespmem:v16+s16+$0x0], $0xffff  }
0x64: {  	v17 =	vld.idx.msk [tilespmem:v17+s16+$0x0], $0xffff  }
0x65: {  	s31 =	simm.s32 $0x2;
	v30 =	vor.u32 v11, v23;
	v24 =	vld.idx.msk [tilespmem:v25+s16+$0x0], $0xffff  }
0x66: {  	v27 =	vmov s31;
	v20 =	vld.idx.msk [tilespmem:v20+s16+$0x0], $0xffff  }
0x67: {  	v26 =	vor.u32 v6, v23;
	v29 =	vor.u32 v7, v23;
	v39 =	vor.u32 v8, v23;
	v14 =	vld.idx.msk [tilespmem:v14+s16+$0x0], $0xffff  }
0x68: {  	v35 =	vor.u32 v10, v23;
	v32 =	vld.idx.msk [tilespmem:v12+s16+$0x0], $0xffff;
	v12 =	vmul.f32 v13, v19;
	v21 =	vmul.f32 v21, v19  }
0x69: {  	v28 =	vld.idx.msk [tilespmem:v18+s16+$0x0], $0xffff;
	v15 =	vimm.f32 $0.0e+00;
	v31 =	vmul.f32 v16, v19;
	v33 =	vmul.f32 v17, v19  }
0x6a: {  	v23 =	vor.u32 v9, v23;
	v25 =	vld.idx.msk [tilespmem:v30+s16+$0x0], $0xffff;
	v18 =	vadd.f32 v12, v15;
	v16 =	vadd.f32 v21, v15  }
0x6b: {  	v13 =	vld.idx.msk [tilespmem:v22+s19+$0x0], $0xffff;
	v17 =	vadd.f32 v31, v15;
	v12 =	vadd.f32 v33, v15;
	v33 =	vshll.u32 v27, $0x7  }
0x6c: {  	v22 =	vld.idx.msk [tilespmem:v26+s16+$0x0], $0xffff;
	v21 =	vmul.f32 v20, v19;
	v14 =	vmul.f32 v14, v19;
	v34 =	vor.u32 v0, v33  }
0x6d: {  	v26 =	vld.idx.msk [tilespmem:v35+s16+$0x0], $0xffff;
	v31 =	vor.u32 v5, v33;
	v35 =	vmul.f32 v32, v19;
	v32 =	vor.u32 v6, v33  }
0x6e: {  	v30 =	vld.idx.msk [tilespmem:v29+s16+$0x0], $0xffff;
	v36 =	vor.u32 v7, v33;
	v19 =	vmul.f32 v28, v19;
	v37 =	vor.u32 v8, v33  }
0x6f: {  	v20 =	vld.idx.msk [tilespmem:v23+s16+$0x0], $0xffff;
	v23 =	vor.u32 v9, v33;
	v29 =	vor.u32 v11, v33;
	v21 =	vadd.f32 v21, v15  }
0x70: {  	s24 =	simm.s32 $0x3;
	v28 =	vld.idx.msk [tilespmem:v39+s16+$0x0], $0xffff;
	v14 =	vadd.f32 v14, v15;
	v38 =	vmul.f32 v38, v13;
	v19 =	vadd.f32 v19, v15  }
.LBB2_5:
0x71: {  	v39 =	vor.u32 v10, v33;
	v33 =	vmul.f32 v24, v13  }
0x72: {  	p0 =	sne.s32 s24, $0x3F;
	v15 =	vadd.f32 v35, v15;
	v40 =	vmovc v13;
	v13 =	vld.idx.msk [tilespmem:v27+s19+$0x0], $0xffff;
	v41 =	vmov v36;
	v42 =	vmov v37;
	s25 =	smov.u32 s24;
	s24 =	sadd.s32 $0x1, s24  }
0x73: {  	v43 =	vld.idx.msk [tilespmem:v34+s16+$0x0], $0xffff;
	v18 =	vadd.f32 v38, v18;
	v34 =	vmul.f32 v22, v40;
	v25 =	vmul.f32 v25, v40  }
0x74: {  	v26 =	vmul.f32 v26, v40;
	v24 =	vld.idx.msk [tilespmem:v31+s16+$0x0], $0xffff;
	v16 =	vadd.f32 v33, v16  }
0x75: {  	v27 =	vmov s25;
	v22 =	vld.idx.msk [tilespmem:v32+s16+$0x0], $0xffff;
	v17 =	vadd.f32 v34, v17;
	v12 =	vadd.f32 v25, v12  }
.Ltmp1:
0x76: {  	v33 =	vshll.u32 v27, $0x7;
	v14 =	vadd.f32 v26, v14;
	v25 =	vld.idx.msk [tilespmem:v29+s16+$0x0], $0xffff;
	v29 =	vmul.f32 v30, v40;
	(pc) =	sbr.rel @p0 .LBB2_5-.Ltmp1, $4  }
0x77: {  	v34 =	vor.u32 v0, v33;
	v31 =	vor.u32 v5, v33;
	v35 =	vmul.f32 v28, v40;
	v26 =	vld.idx.msk [tilespmem:v39+s16+$0x0], $0xffff  }
0x78: {  	v32 =	vor.u32 v6, v33;
	v36 =	vor.u32 v7, v33;
	v39 =	vmul.f32 v20, v40;
	v20 =	vld.idx.msk [tilespmem:v23+s16+$0x0], $0xffff  }
0x79: {  	v37 =	vor.u32 v8, v33;
	v23 =	vor.u32 v9, v33;
	v21 =	vadd.f32 v29, v21;
	v30 =	vld.idx.msk [tilespmem:v41+s16+$0x0], $0xffff  }
0x7a: {  	v29 =	vor.u32 v11, v33;
	v38 =	vmul.f32 v43, v13;
	v19 =	vadd.f32 v39, v19;
	v28 =	vld.idx.msk [tilespmem:v42+s16+$0x0], $0xffff  }
0x7b: {  	_ =	sdelay $0x3  }
0x7c: {  	v27 =	vld.idx.msk [tilespmem:v27+s19+$0x0], $0xffff  }
0x7d: {  	v34 =	vld.idx.msk [tilespmem:v34+s16+$0x0], $0xffff  }
0x7e: {  	v31 =	vld.idx.msk [tilespmem:v31+s16+$0x0], $0xffff  }
0x7f: {  	v33 =	vor.u32 v10, v33;
	v32 =	vld.idx.msk [tilespmem:v32+s16+$0x0], $0xffff  }
0x80: {  	v24 =	vmul.f32 v24, v13;
	v15 =	vadd.f32 v35, v15;
	v22 =	vmul.f32 v22, v13;
	v51 =	vld.idx.msk [tilespmem:v36+s16+$0x0], $0xffff  }
0x81: {  	v25 =	vmul.f32 v25, v13;
	v23 =	vld.idx.msk [tilespmem:v23+s16+$0x0], $0xffff;
	v18 =	vadd.f32 v38, v18;
	v26 =	vmul.f32 v26, v13  }
0x82: {  	v29 =	vld.idx.msk [tilespmem:v29+s16+$0x0], $0xffff;
	v16 =	vadd.f32 v24, v16;
	v56 =	vmul.f32 v20, v13;
	v54 =	vmul.f32 v34, v27  }
0x83: {  	v52 =	vld.idx.msk [tilespmem:v37+s16+$0x0], $0xffff;
	v17 =	vadd.f32 v22, v17;
	v53 =	vmul.f32 v30, v13;
	v31 =	vmul.f32 v31, v27  }
0x84: {  	v28 =	vmul.f32 v28, v13;
	v55 =	vld.idx.msk [tilespmem:v33+s16+$0x0], $0xffff;
	v57 =	vmul.f32 v32, v27;
	v18 =	vadd.f32 v54, v18  }
0x85: {  	v21 =	vadd.f32 v53, v21;
	v58 =	vmul.f32 v51, v27;
	v16 =	vadd.f32 v31, v16  }
0x86: {  	v13 =	vadd.f32 v56, v19;
	v60 =	vmul.f32 v23, v27;
	v17 =	vadd.f32 v57, v17;
	[tilespmem:$0x4200] =	vst v18  }
0x87: {  	v12 =	vadd.f32 v25, v12;
	v63 =	vmul.f32 v29, v27;
	v61 =	vadd.f32 v58, v21;
	[tilespmem:$0x4210] =	vst v16  }
0x88: {  	v59 =	vmul.f32 v52, v27;
	v15 =	vadd.f32 v28, v15;
	v13 =	vadd.f32 v60, v13;
	[tilespmem:$0x4220] =	vst v17  }
0x89: {  	v14 =	vadd.f32 v26, v14;
	v12 =	vadd.f32 v63, v12;
	[tilespmem:$0x4230] =	vst v61;
	v62 =	vmul.f32 v55, v27  }
0x8a: {  	v15 =	vadd.f32 v59, v15;
	[tilespmem:$0x4250] =	vst v13  }
0x8b: {  	s22 =	sadd.s32 $0x1, s22;
	[tilespmem:$0x4270] =	vst v12;
	v14 =	vadd.f32 v62, v14  }
0x8c: {  	p0 =	sne.s32 s22, $0x12;
	[tilespmem:$0x4240] =	vst v15  }
.Ltmp2:
0x8d: {  	s23 =	sadd.s32 s8, s23;
	[tilespmem:$0x4260] =	vst v14;
	(pc) =	sbr.rel @p0 .LBB2_2-.Ltmp2, $4  }
0x8e: {  	[hbm4b:s23+s6] =	stream.linear.scatter [tilespmem:s20], [sflag:$0x3], $0x80, $0x38;
	[tilespmem:$0x4280] =	vst v63  }
0x8f: {  	_ =	swait.ge [sflag:s11], $0x80  }
0x90: {  	[sflag:s11] =	ssyncset.done $0x0  }
0x91: {  	[sflag:s11] =	ssyncadd.s32 $0xFFFFFF80  }
0x92: {  	s21 =	sadd.s32 $0x1, s21  }
0x93: {  	p0 =	sne.s32 s21, s10  }
.Ltmp3:
0x94: {  	_ = 	snop;
	(pc) =	sbr.rel @p0 .LBB2_1-.Ltmp3, $1  }
0x95: {  	_ =	sdelay $0x3  }
0x96: {  	_ =	sfence.sel $0x180000  }
0x97: {  	[bflag:$0x0] =	sbarrier.arrive $0xFFFF  }
0x98: {  	p0 =	sne.s32 s5, $0x0;
	_ =	strace $0x90000047  }
0x99: {  	s0 =	sadd.s32 @!p0 $0x100000, s0;
	[bflag:$0x2] =	sbarrier.arrive $0xFFFF  }
0x9a: {  	[sflag:s0] =	ssyncadd.tile.s32 @!p0 $0x1;
	_ =	shalt  }
.Lfunc_end2:
_tile_overlayer_lowered:
.L_overlay_start_2:
0x9b: {  	(tag) =	ssettag $0x2  }
0x9c: {  	s0 =	rddreg [dreg:$0x0];
	s2 =	stileid.u32  }
0x9d: {  	s1 =	rddreg [dreg:$0x1];
	p0 =	sne.s32 s2, $0x0  }
0x9e: {  	s3 =	rddreg [dreg:$0x2];
	[bflag:$0x3] =	sbarrier.arrive $0xFFFF;
	s2 =	simm.s32 @!p0 $0x1C03  }
0x9f: {  	[timem:s3], [sflag:s2] =	dma.local @!p0 [hbm:s0], s1  }
0xa0: {  	s0 =	simm.s32 @!p0 $0x3  }
0xa1: {  	_ =	swait.ge @!p0 [sflag:s0], s1  }
0xa2: {  	s1 =	ssub.s32 @!p0 $0x0, s1;
	[sflag:s0] =	ssyncset.done @!p0 $0x0  }
0xa3: {  	[sflag:s0] =	ssyncadd.s32 @!p0 s1  }
0xa4: {  	[bflag:$0x3] =	sbarrier.arrive $0xFFFF  }
0xa5: {  	_ =	shalt  }

</sc_bundles>
